<compile_context>
chip_gen: v7x
topology: tpu7x:2x2x1
jax: 0.10.2.dev20260603
libtpu: 0.0.44.dev20260713+nightly
codegen_flags: <defaults>
</compile_context>

<pallas_src>
import functools

import jax
import jax.numpy as jnp
from jax import lax
from jax.experimental import pallas as pl
from jax.experimental.pallas import tpu as pltpu
from jax.experimental.pallas import tpu_sc as plsc

N_NODES = 100000
DIM = 64

NC = 2
NS = 16
NW = NC * NS

CHUNK = 125
N_CHUNKS = 25
PER_W = CHUNK * N_CHUNKS
NBUF = 4

_mesh = plsc.VectorSubcoreMesh(core_axis_name="c", subcore_axis_name="s")


@functools.partial(
    pl.kernel,
    mesh=_mesh,
    compiler_params=pltpu.CompilerParams(use_tc_tiling_on_sc=False),
    out_type=jax.ShapeDtypeStruct((N_NODES, DIM), jnp.float32),
    scratch_types=[
        pltpu.VMEM((N_CHUNKS, CHUNK), jnp.int32),
        pltpu.VMEM((NBUF, CHUNK, DIM), jnp.float32),
        pltpu.SemaphoreType.DMA,
        pltpu.SemaphoreType.DMA,
    ],
)
def _gather_kernel(idx_hbm, table_hbm, out_hbm, idx_v, rows_v, gsem, wsem):
    wid = lax.axis_index("s") * NC + lax.axis_index("c")
    base = wid * PER_W
    pltpu.sync_copy(idx_hbm.at[wid], idx_v)

    for b in range(NBUF):
        pltpu.async_copy(table_hbm.at[idx_v.at[b]], rows_v.at[b], gsem)

    def body(c, _):
        buf = lax.rem(c, NBUF)
        pltpu.make_async_copy(
            table_hbm.at[idx_v.at[c]], rows_v.at[buf], gsem
        ).wait()
        wr = pltpu.async_copy(
            rows_v.at[buf], out_hbm.at[pl.ds(base + c * CHUNK, CHUNK)], wsem
        )

        @pl.when(c + NBUF < N_CHUNKS)
        def _():
            wr.wait()
            pltpu.async_copy(
                table_hbm.at[idx_v.at[c + NBUF]], rows_v.at[buf], gsem
            )

        return 0

    lax.fori_loop(0, N_CHUNKS, body, 0)

    for b in range(NBUF):
        c = N_CHUNKS - NBUF + b
        pltpu.make_async_copy(
            rows_v.at[c % NBUF], out_hbm.at[pl.ds(base + c * CHUNK, CHUNK)], wsem
        ).wait()


def kernel(x, spatial_indexs, table):
    idx3 = spatial_indexs.astype(jnp.int32).reshape(NW, N_CHUNKS, CHUNK)
    out = _gather_kernel(idx3, table)
    return out[None, None]

# --- scband reference (transcript-rebuilt; emitter-appended) ---
"""Pipeline reference for scband-get-spatial-emb-326417515308 (READ-ONLY COPY).

The authoritative reference and input builder live on the scoring server;
editing this copy changes nothing except your own understanding.
"""

import jax, jax.numpy as jnp
import numpy as np

NUM_NODES = 100000
HID_DIM = 64

def setup_inputs(seed: int = 0) -> dict:
    key = jax.random.key(seed)
    k1, k2, k3 = jax.random.split(key, 3)
    x = jax.random.normal(k1, (16, 12, 1024, 64), dtype=jnp.float32)
    spatial_indexs = jax.random.randint(k2, (NUM_NODES,), 0, NUM_NODES, dtype=jnp.int64)
    # nn.Embedding default init: N(0, 1)
    table = jax.random.normal(k3, (NUM_NODES, HID_DIM), dtype=jnp.float32)
    return {"x": x, "spatial_indexs": spatial_indexs, "table": table}

def reference(x, spatial_indexs, table):
    # spatial_emb = self.spatial_embedding(spatial_indexs).unsqueeze(0).unsqueeze(1)
    emb = jnp.take(table, spatial_indexs, axis=0)  # [N, hid_dim]
    spatial_emb = emb[None, None, :, :]            # [1, 1, N, hid_dim]
    return spatial_emb

if __name__ == "__main__":
    import jax
    _d = setup_inputs()
    print(jax.jit(kernel)(*tuple(_d.values())))

</pallas_src>

<mosaic_0001>
#map = affine_map<(d0, d1) -> (0, 0, 0)>
#map1 = affine_map<(d0, d1) -> (0, 0)>
module attributes {stable_mosaic.version = 14 : i64} {
  func.func @_gather_kernel(%arg0: i32, %arg1: i32, %arg2: memref<32x25x125xi32, #tpu.memory_space<hbm>>, %arg3: memref<100000x64xf32, #tpu.memory_space<hbm>>, %arg4: memref<100000x64xf32, #tpu.memory_space<hbm>>, %arg5: memref<25x125xi32, #tpu.memory_space<vmem>>, %arg6: memref<4x125x64xf32, #tpu.memory_space<vmem>>, %arg7: memref<!tpu.dma_semaphore, #tpu.memory_space<semaphore_mem>>, %arg8: memref<!tpu.dma_semaphore, #tpu.memory_space<semaphore_mem>>) attributes {dimension_semantics = [#tpu.dimension_semantics<core_parallel>, #tpu.dimension_semantics<subcore_parallel>], iteration_bounds = array<i64: 2, 16>, scalar_prefetch = 0 : i64, scratch_operands = 4 : i64, tpu.core_type = #tpu.core_type<sc_vector_subcore>, window_params = [{transform_indices = #map}, {transform_indices = #map1}, {transform_indices = #map1}]} {
    %mul3A = arith.constant 2 : i32
    %mul3A_0 = arith.muli %arg1, %mul3A : i32
    %add3A = arith.addi %mul3A_0, %arg0 : i32
    %mul3A_1 = arith.constant 3125 : i32
    %mul3A_2 = arith.muli %add3A, %mul3A_1 : i32
    "tpu.region"() ({
      %run_scoped3A = tpu.sem_alloc : memref<!tpu.dma_semaphore, #tpu.memory_space<semaphore_mem>>
      %dma_start3A_115 = arith.constant 0 : i32
      %dma_start3A_116 = arith.constant 0 : i32
      %dma_start3A_117 = tpu.memref_slice %arg2[%add3A, %dma_start3A_115, %dma_start3A_116] : memref<32x25x125xi32, #tpu.memory_space<hbm>> -> memref<1x25x125xi32, #tpu.memory_space<hbm>>
      %dma_start3A_118 = tpu.memref_squeeze %dma_start3A_117 : memref<1x25x125xi32, #tpu.memory_space<hbm>> -> memref<25x125xi32, #tpu.memory_space<hbm>>
      %dma_start3A_119 = arith.constant 0 : i32
      %dma_start3A_120 = arith.constant 0 : i32
      %dma_start3A_121 = tpu.memref_slice %arg2[%add3A, %dma_start3A_119, %dma_start3A_120] : memref<32x25x125xi32, #tpu.memory_space<hbm>> -> memref<1x25x125xi32, #tpu.memory_space<hbm>>
      %dma_start3A_122 = tpu.memref_squeeze %dma_start3A_121 : memref<1x25x125xi32, #tpu.memory_space<hbm>> -> memref<25x125xi32, #tpu.memory_space<hbm>>
      tpu.enqueue_dma source(%dma_start3A_122 : memref<25x125xi32, #tpu.memory_space<hbm>>) target(%arg5 : memref<25x125xi32, #tpu.memory_space<vmem>>) target_semaphore(%run_scoped3A : memref<!tpu.dma_semaphore, #tpu.memory_space<semaphore_mem>>)
      %dma_wait3A_123 = arith.constant 0 : i32
      %dma_wait3A_124 = arith.constant 0 : i32
      %dma_wait3A_125 = tpu.memref_slice %arg2[%add3A, %dma_wait3A_123, %dma_wait3A_124] : memref<32x25x125xi32, #tpu.memory_space<hbm>> -> memref<1x25x125xi32, #tpu.memory_space<hbm>>
      %dma_wait3A_126 = tpu.memref_squeeze %dma_wait3A_125 : memref<1x25x125xi32, #tpu.memory_space<hbm>> -> memref<25x125xi32, #tpu.memory_space<hbm>>
      %dma_wait3A_127 = arith.constant 0 : i32
      %dma_wait3A_128 = arith.constant 0 : i32
      %dma_wait3A_129 = tpu.memref_slice %arg2[%add3A, %dma_wait3A_127, %dma_wait3A_128] : memref<32x25x125xi32, #tpu.memory_space<hbm>> -> memref<1x25x125xi32, #tpu.memory_space<hbm>>
      %dma_wait3A_130 = tpu.memref_squeeze %dma_wait3A_129 : memref<1x25x125xi32, #tpu.memory_space<hbm>> -> memref<25x125xi32, #tpu.memory_space<hbm>>
      tpu.wait_dma2 semaphore(%run_scoped3A : memref<!tpu.dma_semaphore, #tpu.memory_space<semaphore_mem>>) src(%dma_wait3A_130 : memref<25x125xi32, #tpu.memory_space<hbm>>) dst(%arg5 : memref<25x125xi32, #tpu.memory_space<vmem>>)
      tpu.yield
    }) : () -> ()
    %dma_start3A = arith.constant 0 : i32
    %dma_start3A_3 = arith.constant 0 : i32
    %dma_start3A_4 = arith.constant 0 : i32
    %dma_start3A_5 = arith.constant 0 : i32
    %dma_start3A_6 = tpu.memref_slice %arg6[%dma_start3A_3, %dma_start3A_4, %dma_start3A_5] : memref<4x125x64xf32, #tpu.memory_space<vmem>> -> memref<1x125x64xf32, #tpu.memory_space<vmem>>
    %dma_start3A_7 = tpu.memref_squeeze %dma_start3A_6 : memref<1x125x64xf32, #tpu.memory_space<vmem>> -> memref<125x64xf32, #tpu.memory_space<vmem>>
    %dma_start3A_8 = arith.constant 0 : i32
    %dma_start3A_9 = tpu.memref_slice %arg5[%dma_start3A, %dma_start3A_8] : memref<25x125xi32, #tpu.memory_space<vmem>> -> memref<1x125xi32, #tpu.memory_space<vmem>>
    %dma_start3A_10 = tpu.memref_squeeze %dma_start3A_9 : memref<1x125xi32, #tpu.memory_space<vmem>> -> memref<125xi32, #tpu.memory_space<vmem>>
    %dma_start3A_11 = arith.constant 0 : i32
    %dma_start3A_12 = arith.constant 0 : i32
    %dma_start3A_13 = tpu.memref_slice %arg3[%dma_start3A_11, %dma_start3A_12] : memref<100000x64xf32, #tpu.memory_space<hbm>> -> memref<100000x64xf32, #tpu.memory_space<hbm>>
    tpu.enqueue_indirect_dma source(%dma_start3A_13 : memref<100000x64xf32, #tpu.memory_space<hbm>>) target(%dma_start3A_7 : memref<125x64xf32, #tpu.memory_space<vmem>>) offsets(%dma_start3A_10 : memref<125xi32, #tpu.memory_space<vmem>>) semaphore(%arg7 : memref<!tpu.dma_semaphore, #tpu.memory_space<semaphore_mem>>)
    %dma_start3A_14 = arith.constant 1 : i32
    %dma_start3A_15 = arith.constant 1 : i32
    %dma_start3A_16 = arith.constant 0 : i32
    %dma_start3A_17 = arith.constant 0 : i32
    %dma_start3A_18 = tpu.memref_slice %arg6[%dma_start3A_15, %dma_start3A_16, %dma_start3A_17] : memref<4x125x64xf32, #tpu.memory_space<vmem>> -> memref<1x125x64xf32, #tpu.memory_space<vmem>>
    %dma_start3A_19 = tpu.memref_squeeze %dma_start3A_18 : memref<1x125x64xf32, #tpu.memory_space<vmem>> -> memref<125x64xf32, #tpu.memory_space<vmem>>
    %dma_start3A_20 = arith.constant 0 : i32
    %dma_start3A_21 = tpu.memref_slice %arg5[%dma_start3A_14, %dma_start3A_20] : memref<25x125xi32, #tpu.memory_space<vmem>> -> memref<1x125xi32, #tpu.memory_space<vmem>>
    %dma_start3A_22 = tpu.memref_squeeze %dma_start3A_21 : memref<1x125xi32, #tpu.memory_space<vmem>> -> memref<125xi32, #tpu.memory_space<vmem>>
    %dma_start3A_23 = arith.constant 0 : i32
    %dma_start3A_24 = arith.constant 0 : i32
    %dma_start3A_25 = tpu.memref_slice %arg3[%dma_start3A_23, %dma_start3A_24] : memref<100000x64xf32, #tpu.memory_space<hbm>> -> memref<100000x64xf32, #tpu.memory_space<hbm>>
    tpu.enqueue_indirect_dma source(%dma_start3A_25 : memref<100000x64xf32, #tpu.memory_space<hbm>>) target(%dma_start3A_19 : memref<125x64xf32, #tpu.memory_space<vmem>>) offsets(%dma_start3A_22 : memref<125xi32, #tpu.memory_space<vmem>>) semaphore(%arg7 : memref<!tpu.dma_semaphore, #tpu.memory_space<semaphore_mem>>)
    %dma_start3A_26 = arith.constant 2 : i32
    %dma_start3A_27 = arith.constant 2 : i32
    %dma_start3A_28 = arith.constant 0 : i32
    %dma_start3A_29 = arith.constant 0 : i32
    %dma_start3A_30 = tpu.memref_slice %arg6[%dma_start3A_27, %dma_start3A_28, %dma_start3A_29] : memref<4x125x64xf32, #tpu.memory_space<vmem>> -> memref<1x125x64xf32, #tpu.memory_space<vmem>>
    %dma_start3A_31 = tpu.memref_squeeze %dma_start3A_30 : memref<1x125x64xf32, #tpu.memory_space<vmem>> -> memref<125x64xf32, #tpu.memory_space<vmem>>
    %dma_start3A_32 = arith.constant 0 : i32
    %dma_start3A_33 = tpu.memref_slice %arg5[%dma_start3A_26, %dma_start3A_32] : memref<25x125xi32, #tpu.memory_space<vmem>> -> memref<1x125xi32, #tpu.memory_space<vmem>>
    %dma_start3A_34 = tpu.memref_squeeze %dma_start3A_33 : memref<1x125xi32, #tpu.memory_space<vmem>> -> memref<125xi32, #tpu.memory_space<vmem>>
    %dma_start3A_35 = arith.constant 0 : i32
    %dma_start3A_36 = arith.constant 0 : i32
    %dma_start3A_37 = tpu.memref_slice %arg3[%dma_start3A_35, %dma_start3A_36] : memref<100000x64xf32, #tpu.memory_space<hbm>> -> memref<100000x64xf32, #tpu.memory_space<hbm>>
    tpu.enqueue_indirect_dma source(%dma_start3A_37 : memref<100000x64xf32, #tpu.memory_space<hbm>>) target(%dma_start3A_31 : memref<125x64xf32, #tpu.memory_space<vmem>>) offsets(%dma_start3A_34 : memref<125xi32, #tpu.memory_space<vmem>>) semaphore(%arg7 : memref<!tpu.dma_semaphore, #tpu.memory_space<semaphore_mem>>)
    %dma_start3A_38 = arith.constant 3 : i32
    %dma_start3A_39 = arith.constant 3 : i32
    %dma_start3A_40 = arith.constant 0 : i32
    %dma_start3A_41 = arith.constant 0 : i32
    %dma_start3A_42 = tpu.memref_slice %arg6[%dma_start3A_39, %dma_start3A_40, %dma_start3A_41] : memref<4x125x64xf32, #tpu.memory_space<vmem>> -> memref<1x125x64xf32, #tpu.memory_space<vmem>>
    %dma_start3A_43 = tpu.memref_squeeze %dma_start3A_42 : memref<1x125x64xf32, #tpu.memory_space<vmem>> -> memref<125x64xf32, #tpu.memory_space<vmem>>
    %dma_start3A_44 = arith.constant 0 : i32
    %dma_start3A_45 = tpu.memref_slice %arg5[%dma_start3A_38, %dma_start3A_44] : memref<25x125xi32, #tpu.memory_space<vmem>> -> memref<1x125xi32, #tpu.memory_space<vmem>>
    %dma_start3A_46 = tpu.memref_squeeze %dma_start3A_45 : memref<1x125xi32, #tpu.memory_space<vmem>> -> memref<125xi32, #tpu.memory_space<vmem>>
    %dma_start3A_47 = arith.constant 0 : i32
    %dma_start3A_48 = arith.constant 0 : i32
    %dma_start3A_49 = tpu.memref_slice %arg3[%dma_start3A_47, %dma_start3A_48] : memref<100000x64xf32, #tpu.memory_space<hbm>> -> memref<100000x64xf32, #tpu.memory_space<hbm>>
    tpu.enqueue_indirect_dma source(%dma_start3A_49 : memref<100000x64xf32, #tpu.memory_space<hbm>>) target(%dma_start3A_43 : memref<125x64xf32, #tpu.memory_space<vmem>>) offsets(%dma_start3A_46 : memref<125xi32, #tpu.memory_space<vmem>>) semaphore(%arg7 : memref<!tpu.dma_semaphore, #tpu.memory_space<semaphore_mem>>)
    %scan3A = arith.constant 0 : i32
    %scan3A_50 = arith.constant 0 : i32
    %scan3A_51 = arith.constant 25 : i32
    %scan3A_52 = arith.addi %scan3A_50, %scan3A_51 : i32
    %scan3A_53 = arith.constant 1 : i32
    %scan3A_54 = scf.for %scan3A_115 = %scan3A_50 to %scan3A_52 step %scan3A_53 iter_args(%scan3A_116 = %scan3A) -> (i32)  : i32 {
      %rem3A = arith.constant 4 : i32
      %rem3A_117 = arith.remsi %scan3A_115, %rem3A : i32
      %dma_wait3A_118 = arith.constant 0 : i32
      %dma_wait3A_119 = arith.constant 0 : i32
      %dma_wait3A_120 = tpu.memref_slice %arg6[%rem3A_117, %dma_wait3A_118, %dma_wait3A_119] : memref<4x125x64xf32, #tpu.memory_space<vmem>> -> memref<1x125x64xf32, #tpu.memory_space<vmem>>
      %dma_wait3A_121 = tpu.memref_squeeze %dma_wait3A_120 : memref<1x125x64xf32, #tpu.memory_space<vmem>> -> memref<125x64xf32, #tpu.memory_space<vmem>>
      %dma_wait3A_122 = arith.constant 0 : i32
      %dma_wait3A_123 = tpu.memref_slice %arg5[%scan3A_115, %dma_wait3A_122] : memref<25x125xi32, #tpu.memory_space<vmem>> -> memref<1x125xi32, #tpu.memory_space<vmem>>
      %dma_wait3A_124 = tpu.memref_squeeze %dma_wait3A_123 : memref<1x125xi32, #tpu.memory_space<vmem>> -> memref<125xi32, #tpu.memory_space<vmem>>
      %dma_wait3A_125 = arith.constant 0 : i32
      %dma_wait3A_126 = arith.constant 0 : i32
      %dma_wait3A_127 = tpu.memref_slice %arg3[%dma_wait3A_125, %dma_wait3A_126] : memref<100000x64xf32, #tpu.memory_space<hbm>> -> memref<100000x64xf32, #tpu.memory_space<hbm>>
      tpu.wait_indirect_dma semaphore(%arg7 : memref<!tpu.dma_semaphore, #tpu.memory_space<semaphore_mem>>) src(%dma_wait3A_127 : memref<100000x64xf32, #tpu.memory_space<hbm>>) dst(%dma_wait3A_121 : memref<125x64xf32, #tpu.memory_space<vmem>>)
      %mul3A_128 = arith.constant 125 : i32
      %mul3A_129 = arith.muli %scan3A_115, %mul3A_128 : i32
      %add3A_130 = arith.addi %mul3A_2, %mul3A_129 : i32
      %dma_start3A_131 = arith.constant 0 : i32
      %dma_start3A_132 = arith.constant 0 : i32
      %dma_start3A_133 = tpu.memref_slice %arg6[%rem3A_117, %dma_start3A_131, %dma_start3A_132] : memref<4x125x64xf32, #tpu.memory_space<vmem>> -> memref<1x125x64xf32, #tpu.memory_space<vmem>>
      %dma_start3A_134 = tpu.memref_squeeze %dma_start3A_133 : memref<1x125x64xf32, #tpu.memory_space<vmem>> -> memref<125x64xf32, #tpu.memory_space<vmem>>
      %dma_start3A_135 = arith.constant 0 : i32
      %dma_start3A_136 = tpu.memref_slice %arg4[%add3A_130, %dma_start3A_135] : memref<100000x64xf32, #tpu.memory_space<hbm>> -> memref<125x64xf32, #tpu.memory_space<hbm>>
      %dma_start3A_137 = arith.constant 0 : i32
      %dma_start3A_138 = tpu.memref_slice %arg4[%add3A_130, %dma_start3A_137] : memref<100000x64xf32, #tpu.memory_space<hbm>> -> memref<125x64xf32, #tpu.memory_space<hbm>>
      %dma_start3A_139 = arith.constant 0 : i32
      %dma_start3A_140 = arith.constant 0 : i32
      %dma_start3A_141 = tpu.memref_slice %arg6[%rem3A_117, %dma_start3A_139, %dma_start3A_140] : memref<4x125x64xf32, #tpu.memory_space<vmem>> -> memref<1x125x64xf32, #tpu.memory_space<vmem>>
      %dma_start3A_142 = tpu.memref_squeeze %dma_start3A_141 : memref<1x125x64xf32, #tpu.memory_space<vmem>> -> memref<125x64xf32, #tpu.memory_space<vmem>>
      tpu.enqueue_dma source(%dma_start3A_142 : memref<125x64xf32, #tpu.memory_space<vmem>>) target(%dma_start3A_138 : memref<125x64xf32, #tpu.memory_space<hbm>>) target_semaphore(%arg8 : memref<!tpu.dma_semaphore, #tpu.memory_space<semaphore_mem>>)
      %add3A_143 = arith.constant 4 : i32
      %add3A_144 = arith.addi %scan3A_115, %add3A_143 : i32
      %lt3A = arith.constant 25 : i32
      %lt3A_145 = arith.cmpi slt, %add3A_144, %lt3A : i32
      %convert_element_type3A = arith.extui %lt3A_145 : i1 to i32
      %cond3A = arith.constant 0 : i32
      %cond3A_146 = arith.cmpi ne, %convert_element_type3A, %cond3A : i32
      scf.if %cond3A_146 {
        %dma_wait3A_148 = arith.constant 0 : i32
        %dma_wait3A_149 = arith.constant 0 : i32
        %dma_wait3A_150 = tpu.memref_slice %arg6[%rem3A_117, %dma_wait3A_148, %dma_wait3A_149] : memref<4x125x64xf32, #tpu.memory_space<vmem>> -> memref<1x125x64xf32, #tpu.memory_space<vmem>>
        %dma_wait3A_151 = tpu.memref_squeeze %dma_wait3A_150 : memref<1x125x64xf32, #tpu.memory_space<vmem>> -> memref<125x64xf32, #tpu.memory_space<vmem>>
        %dma_wait3A_152 = arith.constant 0 : i32
        %dma_wait3A_153 = tpu.memref_slice %arg4[%add3A_130, %dma_wait3A_152] : memref<100000x64xf32, #tpu.memory_space<hbm>> -> memref<125x64xf32, #tpu.memory_space<hbm>>
        %dma_wait3A_154 = arith.constant 0 : i32
        %dma_wait3A_155 = tpu.memref_slice %arg4[%add3A_130, %dma_wait3A_154] : memref<100000x64xf32, #tpu.memory_space<hbm>> -> memref<125x64xf32, #tpu.memory_space<hbm>>
        %dma_wait3A_156 = arith.constant 0 : i32
        %dma_wait3A_157 = arith.constant 0 : i32
        %dma_wait3A_158 = tpu.memref_slice %arg6[%rem3A_117, %dma_wait3A_156, %dma_wait3A_157] : memref<4x125x64xf32, #tpu.memory_space<vmem>> -> memref<1x125x64xf32, #tpu.memory_space<vmem>>
        %dma_wait3A_159 = tpu.memref_squeeze %dma_wait3A_158 : memref<1x125x64xf32, #tpu.memory_space<vmem>> -> memref<125x64xf32, #tpu.memory_space<vmem>>
        tpu.wait_dma2 semaphore(%arg8 : memref<!tpu.dma_semaphore, #tpu.memory_space<semaphore_mem>>) src(%dma_wait3A_159 : memref<125x64xf32, #tpu.memory_space<vmem>>) dst(%dma_wait3A_155 : memref<125x64xf32, #tpu.memory_space<hbm>>)
        %add3A_160 = arith.constant 4 : i32
        %add3A_161 = arith.addi %scan3A_115, %add3A_160 : i32
        %dma_start3A_162 = arith.constant 0 : i32
        %dma_start3A_163 = arith.constant 0 : i32
        %dma_start3A_164 = tpu.memref_slice %arg6[%rem3A_117, %dma_start3A_162, %dma_start3A_163] : memref<4x125x64xf32, #tpu.memory_space<vmem>> -> memref<1x125x64xf32, #tpu.memory_space<vmem>>
        %dma_start3A_165 = tpu.memref_squeeze %dma_start3A_164 : memref<1x125x64xf32, #tpu.memory_space<vmem>> -> memref<125x64xf32, #tpu.memory_space<vmem>>
        %dma_start3A_166 = arith.constant 0 : i32
        %dma_start3A_167 = tpu.memref_slice %arg5[%add3A_161, %dma_start3A_166] : memref<25x125xi32, #tpu.memory_space<vmem>> -> memref<1x125xi32, #tpu.memory_space<vmem>>
        %dma_start3A_168 = tpu.memref_squeeze %dma_start3A_167 : memref<1x125xi32, #tpu.memory_space<vmem>> -> memref<125xi32, #tpu.memory_space<vmem>>
        %dma_start3A_169 = arith.constant 0 : i32
        %dma_start3A_170 = arith.constant 0 : i32
        %dma_start3A_171 = tpu.memref_slice %arg3[%dma_start3A_169, %dma_start3A_170] : memref<100000x64xf32, #tpu.memory_space<hbm>> -> memref<100000x64xf32, #tpu.memory_space<hbm>>
        tpu.enqueue_indirect_dma source(%dma_start3A_171 : memref<100000x64xf32, #tpu.memory_space<hbm>>) target(%dma_start3A_165 : memref<125x64xf32, #tpu.memory_space<vmem>>) offsets(%dma_start3A_168 : memref<125xi32, #tpu.memory_space<vmem>>) semaphore(%arg7 : memref<!tpu.dma_semaphore, #tpu.memory_space<semaphore_mem>>)
      } else {
      }
      %scan3A_147 = arith.constant 0 : i32
      scf.yield %scan3A_147 : i32
    }
    %scan3A_55 = arith.constant 25 : i32
    %add3A_56 = arith.constant 2625 : i32
    %add3A_57 = arith.addi %mul3A_2, %add3A_56 : i32
    %dma_wait3A = arith.constant 1 : i32
    %dma_wait3A_58 = arith.constant 0 : i32
    %dma_wait3A_59 = arith.constant 0 : i32
    %dma_wait3A_60 = tpu.memref_slice %arg6[%dma_wait3A, %dma_wait3A_58, %dma_wait3A_59] : memref<4x125x64xf32, #tpu.memory_space<vmem>> -> memref<1x125x64xf32, #tpu.memory_space<vmem>>
    %dma_wait3A_61 = tpu.memref_squeeze %dma_wait3A_60 : memref<1x125x64xf32, #tpu.memory_space<vmem>> -> memref<125x64xf32, #tpu.memory_space<vmem>>
    %dma_wait3A_62 = arith.constant 0 : i32
    %dma_wait3A_63 = tpu.memref_slice %arg4[%add3A_57, %dma_wait3A_62] : memref<100000x64xf32, #tpu.memory_space<hbm>> -> memref<125x64xf32, #tpu.memory_space<hbm>>
    %dma_wait3A_64 = arith.constant 0 : i32
    %dma_wait3A_65 = tpu.memref_slice %arg4[%add3A_57, %dma_wait3A_64] : memref<100000x64xf32, #tpu.memory_space<hbm>> -> memref<125x64xf32, #tpu.memory_space<hbm>>
    %dma_wait3A_66 = arith.constant 0 : i32
    %dma_wait3A_67 = arith.constant 0 : i32
    %dma_wait3A_68 = tpu.memref_slice %arg6[%dma_wait3A, %dma_wait3A_66, %dma_wait3A_67] : memref<4x125x64xf32, #tpu.memory_space<vmem>> -> memref<1x125x64xf32, #tpu.memory_space<vmem>>
    %dma_wait3A_69 = tpu.memref_squeeze %dma_wait3A_68 : memref<1x125x64xf32, #tpu.memory_space<vmem>> -> memref<125x64xf32, #tpu.memory_space<vmem>>
    tpu.wait_dma2 semaphore(%arg8 : memref<!tpu.dma_semaphore, #tpu.memory_space<semaphore_mem>>) src(%dma_wait3A_69 : memref<125x64xf32, #tpu.memory_space<vmem>>) dst(%dma_wait3A_65 : memref<125x64xf32, #tpu.memory_space<hbm>>)
    %add3A_70 = arith.constant 2750 : i32
    %add3A_71 = arith.addi %mul3A_2, %add3A_70 : i32
    %dma_wait3A_72 = arith.constant 2 : i32
    %dma_wait3A_73 = arith.constant 0 : i32
    %dma_wait3A_74 = arith.constant 0 : i32
    %dma_wait3A_75 = tpu.memref_slice %arg6[%dma_wait3A_72, %dma_wait3A_73, %dma_wait3A_74] : memref<4x125x64xf32, #tpu.memory_space<vmem>> -> memref<1x125x64xf32, #tpu.memory_space<vmem>>
    %dma_wait3A_76 = tpu.memref_squeeze %dma_wait3A_75 : memref<1x125x64xf32, #tpu.memory_space<vmem>> -> memref<125x64xf32, #tpu.memory_space<vmem>>
    %dma_wait3A_77 = arith.constant 0 : i32
    %dma_wait3A_78 = tpu.memref_slice %arg4[%add3A_71, %dma_wait3A_77] : memref<100000x64xf32, #tpu.memory_space<hbm>> -> memref<125x64xf32, #tpu.memory_space<hbm>>
    %dma_wait3A_79 = arith.constant 0 : i32
    %dma_wait3A_80 = tpu.memref_slice %arg4[%add3A_71, %dma_wait3A_79] : memref<100000x64xf32, #tpu.memory_space<hbm>> -> memref<125x64xf32, #tpu.memory_space<hbm>>
    %dma_wait3A_81 = arith.constant 0 : i32
    %dma_wait3A_82 = arith.constant 0 : i32
    %dma_wait3A_83 = tpu.memref_slice %arg6[%dma_wait3A_72, %dma_wait3A_81, %dma_wait3A_82] : memref<4x125x64xf32, #tpu.memory_space<vmem>> -> memref<1x125x64xf32, #tpu.memory_space<vmem>>
    %dma_wait3A_84 = tpu.memref_squeeze %dma_wait3A_83 : memref<1x125x64xf32, #tpu.memory_space<vmem>> -> memref<125x64xf32, #tpu.memory_space<vmem>>
    tpu.wait_dma2 semaphore(%arg8 : memref<!tpu.dma_semaphore, #tpu.memory_space<semaphore_mem>>) src(%dma_wait3A_84 : memref<125x64xf32, #tpu.memory_space<vmem>>) dst(%dma_wait3A_80 : memref<125x64xf32, #tpu.memory_space<hbm>>)
    %add3A_85 = arith.constant 2875 : i32
    %add3A_86 = arith.addi %mul3A_2, %add3A_85 : i32
    %dma_wait3A_87 = arith.constant 3 : i32
    %dma_wait3A_88 = arith.constant 0 : i32
    %dma_wait3A_89 = arith.constant 0 : i32
    %dma_wait3A_90 = tpu.memref_slice %arg6[%dma_wait3A_87, %dma_wait3A_88, %dma_wait3A_89] : memref<4x125x64xf32, #tpu.memory_space<vmem>> -> memref<1x125x64xf32, #tpu.memory_space<vmem>>
    %dma_wait3A_91 = tpu.memref_squeeze %dma_wait3A_90 : memref<1x125x64xf32, #tpu.memory_space<vmem>> -> memref<125x64xf32, #tpu.memory_space<vmem>>
    %dma_wait3A_92 = arith.constant 0 : i32
    %dma_wait3A_93 = tpu.memref_slice %arg4[%add3A_86, %dma_wait3A_92] : memref<100000x64xf32, #tpu.memory_space<hbm>> -> memref<125x64xf32, #tpu.memory_space<hbm>>
    %dma_wait3A_94 = arith.constant 0 : i32
    %dma_wait3A_95 = tpu.memref_slice %arg4[%add3A_86, %dma_wait3A_94] : memref<100000x64xf32, #tpu.memory_space<hbm>> -> memref<125x64xf32, #tpu.memory_space<hbm>>
    %dma_wait3A_96 = arith.constant 0 : i32
    %dma_wait3A_97 = arith.constant 0 : i32
    %dma_wait3A_98 = tpu.memref_slice %arg6[%dma_wait3A_87, %dma_wait3A_96, %dma_wait3A_97] : memref<4x125x64xf32, #tpu.memory_space<vmem>> -> memref<1x125x64xf32, #tpu.memory_space<vmem>>
    %dma_wait3A_99 = tpu.memref_squeeze %dma_wait3A_98 : memref<1x125x64xf32, #tpu.memory_space<vmem>> -> memref<125x64xf32, #tpu.memory_space<vmem>>
    tpu.wait_dma2 semaphore(%arg8 : memref<!tpu.dma_semaphore, #tpu.memory_space<semaphore_mem>>) src(%dma_wait3A_99 : memref<125x64xf32, #tpu.memory_space<vmem>>) dst(%dma_wait3A_95 : memref<125x64xf32, #tpu.memory_space<hbm>>)
    %add3A_100 = arith.constant 3000 : i32
    %add3A_101 = arith.addi %mul3A_2, %add3A_100 : i32
    %dma_wait3A_102 = arith.constant 0 : i32
    %dma_wait3A_103 = arith.constant 0 : i32
    %dma_wait3A_104 = arith.constant 0 : i32
    %dma_wait3A_105 = tpu.memref_slice %arg6[%dma_wait3A_102, %dma_wait3A_103, %dma_wait3A_104] : memref<4x125x64xf32, #tpu.memory_space<vmem>> -> memref<1x125x64xf32, #tpu.memory_space<vmem>>
    %dma_wait3A_106 = tpu.memref_squeeze %dma_wait3A_105 : memref<1x125x64xf32, #tpu.memory_space<vmem>> -> memref<125x64xf32, #tpu.memory_space<vmem>>
    %dma_wait3A_107 = arith.constant 0 : i32
    %dma_wait3A_108 = tpu.memref_slice %arg4[%add3A_101, %dma_wait3A_107] : memref<100000x64xf32, #tpu.memory_space<hbm>> -> memref<125x64xf32, #tpu.memory_space<hbm>>
    %dma_wait3A_109 = arith.constant 0 : i32
    %dma_wait3A_110 = tpu.memref_slice %arg4[%add3A_101, %dma_wait3A_109] : memref<100000x64xf32, #tpu.memory_space<hbm>> -> memref<125x64xf32, #tpu.memory_space<hbm>>
    %dma_wait3A_111 = arith.constant 0 : i32
    %dma_wait3A_112 = arith.constant 0 : i32
    %dma_wait3A_113 = tpu.memref_slice %arg6[%dma_wait3A_102, %dma_wait3A_111, %dma_wait3A_112] : memref<4x125x64xf32, #tpu.memory_space<vmem>> -> memref<1x125x64xf32, #tpu.memory_space<vmem>>
    %dma_wait3A_114 = tpu.memref_squeeze %dma_wait3A_113 : memref<1x125x64xf32, #tpu.memory_space<vmem>> -> memref<125x64xf32, #tpu.memory_space<vmem>>
    tpu.wait_dma2 semaphore(%arg8 : memref<!tpu.dma_semaphore, #tpu.memory_space<semaphore_mem>>) src(%dma_wait3A_114 : memref<125x64xf32, #tpu.memory_space<vmem>>) dst(%dma_wait3A_110 : memref<125x64xf32, #tpu.memory_space<hbm>>)
    return
  }
}

</mosaic_0001>

<sc_bundles>
// kernel: kernel.3.cloned.1.call-start
scs
__scs_entry_jumppad:
0x0: {  	(pc) =	sbr.rel $0x88, $3  }
0x1: {  	(tag) =	ssettag $0x0;
	lr =	simm.s32 $0x1  }
0x2: {  	[smem:$0x3F9F] =	sst lr;
	_ =	strace $0xD0000000  }
0x3: {  	_ = 	snop  }
0x4: {  	_ = 	snop  }
0x5: {  	_ = 	snop  }
0x6: {  	_ = 	snop  }
0x7: {  	_ = 	snop  }
__scs_overlays_trampoline_lowered:
0x8: {  	[smem:$0x3FAE] =	sst s0  }
0x9: {  	[smem:$0x3FAF] =	sst s1  }
0xa: {  	[smem:$0x3FB0] =	sst s2  }
0xb: {  	[smem:$0x3FB1] =	sst s3  }
0xc: {  	[smem:$0x3FB2] =	sst s4  }
0xd: {  	[smem:$0x3FB3] =	sst s5  }
0xe: {  	[smem:$0x3FB4] =	sst s6  }
0xf: {  	[smem:$0x3FB5] =	sst s7  }
0x10: {  	[smem:$0x3FB6] =	sst s8  }
0x11: {  	[smem:$0x3FB7] =	sst s9;
	s0 =	simm.s32 @!p0 $0x0  }
0x12: {  	s1 =	sld [smem:$0x3F9D];
	s0 =	simm.s32 @p0 $0x1  }
0x13: {  	[smem:$0x3FB8] =	sst s0;
	s0 =	simm.s32 @!p1 $0x0  }
0x14: {  	s2 =	sld [smem:$0x3F9C];
	s0 =	simm.s32 @p1 $0x1  }
0x15: {  	[smem:$0x3FB9] =	sst s0;
	s0 =	simm.s32 @!p2 $0x0  }
0x16: {  	s3 =	sld [smem:$0x3FDB];
	s0 =	simm.s32 @p2 $0x1  }
0x17: {  	s4 =	simm.s32 $0x1BF5;
	[smem:$0x3FBB] =	sst s0  }
0x18: {  	s0 =	sld [smem:$0x3F9E];
	_ =	swait.ge [sflag:s4], $0x0  }
0x19: {  	s7 =	sld [smem:$0x3F9F]  }
0x1a: {  	s8 =	sadd.s32 $0xFFFFE003, lr  }
0x1b: {  	s9 =	sadd.s32 $0xFFFFFEF7, lr;
	s5 =	simm.s32 $0xFFFFFFFF;
	p2 =	slt.u32 s8, $0xFFFFF086  }
0x1c: {  	p1 =	slt.u32 s9, $0xF7A;
	s5 =	simm.s32 @!p2 $0x0  }
0x1d: {  	s5 =	simm.s32 @p1 $0x1;
	p0 =	seq.s32 s7, s2  }
0x1e: {  	s7 =	smul.u32 @!p0 $0xF7A, s2;
	p2 =	seq.s32 @!p0 s5, $0x0  }
0x1f: {  	s9 =	smul.u32 $0xF7A, s1;
	s8 =	simm.s32 @!p0 $0x1BF5;
	p2 =	por !p2, p0  }
0x20: {  	[sflag:s8] =	ssyncset.s32 @!p0 $0xFFFFF086;
	s6 =	sadd.s32 @!p0 s3, s7;
	s7 =	simm.s32 @!p0 $0x108  }
0x21: {  	s3 =	sadd.s32 s3, s9;
	s6 =	sadd.s32 @!p0 $0x88, s6;
	s7 =	simm.s32 @p2 $0x1082  }
0x22: {  	[simem:s7], [sflag:s8] =	dma.local @!p0 [hbm:s6], $0xF7A  }
0x23: {  	s9 =	sor.u32 $0xD0000000, s2;
	s6 =	simm.s32 $0x108;
	_ =	swait.ge @!p0 [sflag:s8], $0x0  }
0x24: {  	s3 =	sadd.s32 $0x88, s3;
	s6 =	simm.s32 @!p1 $0x1082;
	[sflag:s4] =	ssyncset.s32 $0xFFFFF086  }
0x25: {  	[simem:s6], [sflag:s4] =	dma.local [hbm:s3], $0xF7A  }
0x26: {  	[smem:$0x3F9F] =	sst s1;
	(tag) =	ssettag s2;
	_ =	strace s9  }
0x27: {  	s1 =	sld [smem:$0x3FAF]  }
0x28: {  	s2 =	sld [smem:$0x3FB0]  }
0x29: {  	s4 =	sld [smem:$0x3FB2]  }
0x2a: {  	p0 =	seq.s32 s5, $0x0;
	s5 =	sld [smem:$0x3FB3]  }
0x2b: {  	s6 =	sld [smem:$0x3FB4]  }
0x2c: {  	s7 =	sld [smem:$0x3FB5]  }
0x2d: {  	s3 =	simm.s32 $0x108;
	s8 =	sld [smem:$0x3FB6]  }
0x2e: {  	s3 =	simm.s32 @!p0 $0x1082;
	s9 =	sld [smem:$0x3FB7]  }
0x2f: {  	lr =	sadd.s32 s0, s3;
	s0 =	sld [smem:$0x3FAE]  }
0x30: {  	s3 =	sld [smem:$0x3FB1]  }
0x31: {  	[smem:$0x3FBA] =	sst s10  }
0x32: {  	s10 =	sld [smem:$0x3FB8];
	_ =	sdelay $0x3  }
0x33: {  	p0 =	seq.s32 s10, $0x1;
	s10 =	sld [smem:$0x3FBA];
	_ =	sdelay $0x3  }
0x34: {  	[smem:$0x3FBA] =	sst s10  }
0x35: {  	s10 =	sld [smem:$0x3FB9];
	_ =	sdelay $0x3  }
0x36: {  	p1 =	seq.s32 s10, $0x1;
	s10 =	sld [smem:$0x3FBA];
	_ =	sdelay $0x3  }
0x37: {  	[smem:$0x3FBA] =	sst s10  }
0x38: {  	s10 =	sld [smem:$0x3FBB]  }
0x39: {  	_ = 	snop;
	(pc) =	sbr.ind lr, $3  }
0x3a: {  	_ = 	snop  }
0x3b: {  	_ = 	snop  }
0x3c: {  	p2 =	seq.s32 s10, $0x1;
	s10 =	sld [smem:$0x3FBA]  }
0x3d: {  	_ =	shalt  }
0x3e: {  	_ =	shalt  }
0x3f: {  	_ =	shalt  }
0x40: {  	_ =	shalt  }
0x41: {  	_ =	shalt  }
0x42: {  	_ =	shalt  }
0x43: {  	_ =	shalt  }
0x44: {  	_ =	shalt  }
0x45: {  	_ =	shalt  }
0x46: {  	_ =	shalt  }
0x47: {  	_ =	shalt  }
0x48: {  	_ =	shalt  }
0x49: {  	_ =	shalt  }
0x4a: {  	_ =	shalt  }
0x4b: {  	_ =	shalt  }
0x4c: {  	_ =	shalt  }
0x4d: {  	_ =	shalt  }
0x4e: {  	_ =	shalt  }
0x4f: {  	_ =	shalt  }
0x50: {  	_ =	shalt  }
0x51: {  	_ =	shalt  }
0x52: {  	_ =	shalt  }
0x53: {  	_ =	shalt  }
0x54: {  	_ =	shalt  }
0x55: {  	_ =	shalt  }
0x56: {  	_ =	shalt  }
0x57: {  	_ =	shalt  }
0x58: {  	_ =	shalt  }
0x59: {  	_ =	shalt  }
0x5a: {  	_ =	shalt  }
0x5b: {  	_ =	shalt  }
0x5c: {  	_ =	shalt  }
0x5d: {  	_ =	shalt  }
0x5e: {  	_ =	shalt  }
0x5f: {  	_ =	shalt  }
0x60: {  	_ =	shalt  }
0x61: {  	_ =	shalt  }
0x62: {  	_ =	shalt  }
0x63: {  	_ =	shalt  }
0x64: {  	_ =	shalt  }
0x65: {  	_ =	shalt  }
0x66: {  	_ =	shalt  }
0x67: {  	_ =	shalt  }
0x68: {  	_ =	shalt  }
0x69: {  	_ =	shalt  }
0x6a: {  	_ =	shalt  }
0x6b: {  	_ =	shalt  }
0x6c: {  	_ =	shalt  }
0x6d: {  	_ =	shalt  }
0x6e: {  	_ =	shalt  }
0x6f: {  	_ =	shalt  }
0x70: {  	_ =	shalt  }
0x71: {  	_ =	shalt  }
0x72: {  	_ =	shalt  }
0x73: {  	_ =	shalt  }
0x74: {  	_ =	shalt  }
0x75: {  	_ =	shalt  }
0x76: {  	_ =	shalt  }
0x77: {  	_ =	shalt  }
0x78: {  	_ =	shalt  }
0x79: {  	_ =	shalt  }
0x7a: {  	_ =	shalt  }
0x7b: {  	_ =	shalt  }
0x7c: {  	_ =	shalt  }
0x7d: {  	_ =	shalt  }
0x7e: {  	_ =	shalt  }
0x7f: {  	_ =	shalt  }
0x80: {  	_ =	shalt  }
0x81: {  	_ =	shalt  }
0x82: {  	_ =	shalt  }
0x83: {  	_ =	shalt  }
0x84: {  	_ =	shalt  }
0x85: {  	_ =	shalt  }
0x86: {  	_ =	shalt  }
0x87: {  	_ =	shalt  }
.Lfunc_end0:
.L_simem_size_0:
called_computation_lowered:
.L_overlay_start_0:
0x88: {  	s2 =	sld [smem:$0x3FD9]  }
0x89: {  	s3 =	sld [smem:$0x3FFE];
	_ =	sdelay $0x1  }
0x8a: {  	s1 =	srdreg.scid  }
0x8b: {  	s0 =	sand.u32 $0x1, s1  }
0x8c: {  	s17 =	sshll.u32 s0, $0xA;
	s2 =	sadd.s32 s3, s2  }
0x8d: {  	s2 =	sadd.s32 s2, s17  }
0x8e: {  	[smem:$0x3FC6] =	sst s2  }
0x8f: {  	_ = 	snop  }
0x90: {  	s2 =	sld [smem:$0x3FD0];
	(tm) =	ssettm $0x1  }
0x91: {  	s18 =	sld [smem:$0x3FFB];
	_ =	sdelay $0x3  }
0x92: {  	_ =	strace s18  }
0x93: {  	s3 =	sld [smem:$0x3FFC];
	_ =	sdelay $0x3  }
0x94: {  	_ =	strace s3  }
0x95: {  	s3 =	sld [smem:$0x3FFD];
	_ =	sdelay $0x3  }
0x96: {  	_ =	strace s3  }
0x97: {  	_ =	strace $0x8FFFFFFF  }
0x98: {  	s19 =	sld [smem:$0x3FDB];
	_ =	sdelay $0x1  }
0x99: {  	s4 =	simm.s32 $_scs_section_size  }
0x9a: {  	s5 =	simm.s32 $_size__tile_overlayer_lowered;
	s6 =	simm.s32 $_tile_overlayer_lowered  }
0x9b: {  	s22 =	simm.s32 $0x1BFF;
	s21 =	sshll.u32 s6, $0x1;
	s3 =	sadd.s32 s4, s19  }
0x9c: {  	s7 =	simm.s32 $0x0;
	s20 =	sshll.u32 s5, $0x1;
	s5 =	sadd.s32 s21, s3  }
0x9d: {  	[timem:s7], [sflag:s22] =	dma.local [hbm:s5], s20  }
0x9e: {  	_ =	swait.ge [sflag:s22], s20  }
0x9f: {  	s4 =	ssub.s32 $0x0, s20;
	[sflag:s22] =	ssyncset.done $0x0  }
0xa0: {  	[sflag:s22] =	ssyncadd.s32 s4;
	_ =	sdelay $0x1  }
0xa1: {  	s23 =	simm.s32 $0x1B8B  }
0xa2: {  	_ =	swait.ge [sflag:s23], $0x1  }
0xa3: {  	[sflag:s23] =	ssyncset.done $0x0  }
0xa4: {  	s25 =	simm.s32 $0x1B8E;
	s24 =	sld [smem:$0x3FFE];
	[sflag:s23] =	ssyncadd.s32 $0xFFFFFFFF  }
0xa5: {  	s26 =	simm.s32 $execute0_lowered;
	[smem:$0x3FD2] =	sst s25  }
0xa6: {  	s5 =	sshll.u32 s26, $0x1;
	_ =	strace $0x80000046;
	[dreg:$0x1] =	wrdreg $0xFFFFFFFF  }
0xa7: {  	s28 =	simm.s32 $_size_execute0_lowered;
	s3 =	sadd.s32 s3, s5;
	[dreg:$0x0] =	wrdreg $0x0  }
0xa8: {  	s5 =	sshll.u32 s28, $0x1;
	[dreg:$0x2] =	wrdreg s3  }
0xa9: {  	[dreg:$0x3] =	wrdreg s5  }
0xaa: {  	[dreg:$0x4] =	wrdreg $0xC0  }
0xab: {  	_ =	task [dreg:s7], $0x5FFFF  }
0xac: {  	[dreg:$0x1] =	wrdreg $0xFFFFFFFF  }
0xad: {  	[dreg:$0x0] =	wrdreg $0x60  }
0xae: {  	[dreg:$0x2] =	wrdreg s24  }
0xaf: {  	[dreg:$0x3] =	wrdreg s2  }
0xb0: {  	[dreg:$0x4] =	wrdreg $0x9  }
0xb1: {  	_ =	task.clear_ibuf [dreg:s7], $0x5FFFF;
	_ =	strace $0x90000046  }
0xb2: {  	s29 =	simm.s32 $0x9;
	_ =	strace $0x80000048  }
0xb3: {  	_ =	swait.ge [sflag:s29], $0x1  }
0xb4: {  	[sflag:s29] =	ssyncadd.s32 $0xFFFFFFFF  }
0xb5: {  	_ =	strace $0x90000048  }
0xb6: {  	_ =	sfence  }
0xb7: {  	s30 =	sld [smem:$0x0];
	_ =	sdelay $0x2  }
0xb8: {  	s31 =	sshll.u32 s1, $0xD;
	s1 =	sshrl.u32 s1, $0x2  }
0xb9: {  	s3 =	sand.u32 $0x4000, s31;
	s1 =	sadd.s32 s1, s30  }
0xba: {  	s0 =	sor.u32 s3, s0;
	s1 =	sshll.u32 s1, $0x11  }
0xbb: {  	s0 =	sor.u32 s1, s0  }
0xbc: {  	s0 =	sadd.s32 $0x8F2B, s0  }
0xbd: {  	[sflag:s0] =	ssyncadd.remote.s32 $0x1  }
0xbe: {  	_ =	sfence.sel $0xFFFF  }
0xbf: {  	[dreg:$0x0] =	wrdreg $0xFFFFFFFF;
	(pc) =	sbr.abs _section_cstart, $3  }
0xc0: {  	[dreg:$0x1] =	wrdreg $0xFFFFFFFF  }
0xc1: {  	_ =	task.clear_ibuf [dreg:s7], $0x2FFFF;
	_ =	strace $0x9FFFFFFF  }
0xc2: {  	(tm) =	ssettm $0x7FFFFFFF  }
0xc3: {  	_ =	shalt  }
tec
execute0_lowered:
.L_overlay_start_1:
0x0: {  	(tag) =	ssettag $0x1  }
0x1: {  	s1 =	srdreg.scid;
	s5 =	rddreg [dreg:$0x0]  }
0x2: {  	s0 =	stileid.u32;
	s2 =	rddreg [dreg:$0x1];
	s3 =	simm.s32 $0x0  }
0x3: {  	s10 =	simm.s32 $0x80;
	s11 =	simm.s32 $0x2BC0;
	s12 =	simm.s32 $0x100  }
0x4: {  	s13 =	simm.s32 $0x4B00;
	s14 =	simm.s32 $0x180;
	s15 =	simm.s32 $0x6A40  }
0x5: {  	s16 =	simm.s32 $0x1;
	s17 =	simm.s32 $0x2;
	s4 =	sand.u32 $0x1, s1  }
0x6: {  	s30 =	sshll.u32 s0, $0x1;
	s7 =	smul.u32 $0xC350, s0;
	[smem:$0x7FF] =	sst s3  }
0x7: {  	s1 =	sor.u32 s4, s30;
	s8 =	ssub.s32 $0x2, s4;
	s4 =	smul.u32 $0x61A8, s4  }
0x8: {  	s18 =	simm.s32 $0x0;
	s6 =	smul.u32 $0x190, s1;
	s1 =	rddreg [dreg:$0x2]  }
0x9: {  	_ =	strace $0x80000047;
	s7 =	sadd.s32 s7, s5;
	s9 =	sshrl.u32 s8, $0x1  }
0xa: {  	s31 =	ssub.s32 s8, s9;
	s7 =	sadd.s32 s4, s7;
	s8 =	simm.s32 $0x7D  }
0xb: {  	s9 =	simm.s32 $0xC80;
	s5 =	sadd.s32 s6, s5;
	s6 =	sadd.s32 $0x3800, s7  }
0xc: {  	s7 =	simm.s32 $0x3;
	s4 =	sadd.s32 $0x600, s5;
	s5 =	smax.u32 s31, $0x1  }
.LBB2_1:
0xd: {  	[tilespmem:s3], [sflag:$0x3] =	stream.linear.gather [hbm4b:s4+s3], $0xC80, $0x38;
	[tilespmem:$0x8980] =	vst v63  }
0xe: {  	_ =	swait.ge [sflag:s7], $0xC80  }
0xf: {  	[sflag:s7] =	ssyncset.done $0x0  }
0x10: {  	[sflag:s7] =	ssyncadd.s32 $0xFFFFF380  }
0x11: {  	[tilespmem:s9], [sflag:$0x1] =	stream.indirect.gather [hbm4b:s2+s8], $0x40, s3, s8, $0xb8;
	[tilespmem:$0x8980] =	vst v63  }
0x12: {  	_ = 	snop  }
0x13: {  	[tilespmem:s11], [sflag:$0x1] =	stream.indirect.gather [hbm4b:s2+s8], $0x40, s10, s8, $0xb8;
	[tilespmem:$0x8980] =	vst v63  }
0x14: {  	s19 =	sand.u32 $0x3, s3  }
0x15: {  	[tilespmem:s13], [sflag:$0x1] =	stream.indirect.gather [hbm4b:s2+s8], $0x40, s12, s8, $0xb8;
	[tilespmem:$0x8980] =	vst v63  }
0x16: {  	s20 =	smul.u32 $0x7D00, s19  }
0x17: {  	[tilespmem:s15], [sflag:$0x1] =	stream.indirect.gather [hbm4b:s2+s8], $0x40, s14, s8, $0xb8;
	[tilespmem:$0x8980] =	vst v63  }
0x18: {  	s21 =	simm.s32 $0x200;
	p0 =	por $0x0, $0x0;
	_ =	swait.ge [sflag:s16], $0x1F40  }
0x19: {  	s24 =	simm.s32 $0x2;
	s20 =	sshrl.u32 s20, $0x2;
	[sflag:s16] =	ssyncset.done $0x0  }
0x1a: {  	s25 =	simm.s32 @!p0 $0x2;
	s23 =	sadd.s32 $0xC80, s20;
	[sflag:s16] =	ssyncadd.s32 $0xFFFFE0C0  }
0x1b: {  	[hbm4b:s6+s3] =	stream.linear.scatter [tilespmem:s23], [sflag:$0x2], $0x1F40, $0x38;
	[tilespmem:$0x8980] =	vst v63  }
0x1c: {  	s22 =	sadd.s32 $0x3E8, s6;
	s19 =	simm.s32 $0x1;
	_ =	swait.ge @!p0 [sflag:s25], $0x1F40  }
0x1d: {  	s26 =	simm.s32 @!p0 $0x7D;
	s20 =	simm.s32 $0x280;
	[sflag:s25] =	ssyncset.done @!p0 $0x0  }
.LBB2_2:
0x1e: {  	s28 =	sand.u32 $0x3, s19  }
0x1f: {  	[sflag:s25] =	ssyncadd.s32 @!p0 $0xFFFFE0C0;
	s29 =	smov.u32 s24;
	s24 =	sadd.s32 $0x1, s24  }
0x20: {  	p1 =	sne.s32 s24, $0x19;
	s25 =	smul.u32 $0x7D00, s28  }
0x21: {  	[tilespmem:s23], [sflag:$0x1] =	stream.indirect.gather @!p0 [hbm4b:s2+s26], $0x40, s21, s26, $0xb8;
	[tilespmem:$0x8980] =	vst v63  }
0x22: {  	s21 =	smov.u32 s20  }
0x23: {  	p0 =	sgt.u32 s19, $0x14;
	s23 =	sshrl.u32 s25, $0x2;
	_ =	swait.ge [sflag:s16], $0x1F40  }
.Ltmp0:
0x24: {  	s23 =	sadd.s32 $0xC80, s23;
	[sflag:s16] =	ssyncset.done $0x0;
	(pc) =	sbr.rel @p1 .LBB2_2-.Ltmp0, $4  }
0x25: {  	s19 =	smov.u32 s29;
	s25 =	simm.s32 @!p0 $0x2;
	[sflag:s16] =	ssyncadd.s32 $0xFFFFE0C0  }
0x26: {  	[hbm4b:s22+s3] =	stream.linear.scatter [tilespmem:s23], [sflag:$0x2], $0x1F40, $0x38;
	[tilespmem:$0x8980] =	vst v63  }
0x27: {  	s22 =	sadd.s32 $0x3E8, s22;
	_ =	swait.ge @!p0 [sflag:s25], $0x1F40  }
0x28: {  	s20 =	sadd.s32 $0x80, s20;
	s26 =	simm.s32 @!p0 $0x7D;
	[sflag:s25] =	ssyncset.done @!p0 $0x0  }
0x29: {  	s24 =	sand.u32 $0x3, s19  }
0x2a: {  	[sflag:s25] =	ssyncadd.s32 @!p0 $0xFFFFE0C0;
	s24 =	smul.u32 $0x7D00, s24  }
0x2b: {  	[tilespmem:s23], [sflag:$0x1] =	stream.indirect.gather @!p0 [hbm4b:s2+s26], $0x40, s21, s26, $0xb8;
	[tilespmem:$0x8980] =	vst v63  }
0x2c: {  	_ =	swait.ge [sflag:s16], $0x1F40  }
0x2d: {  	p0 =	sgt.u32 s19, $0x14;
	s31 =	sshrl.u32 s24, $0x2;
	[sflag:s16] =	ssyncset.done $0x0  }
0x2e: {  	s21 =	simm.s32 @!p0 $0x2;
	s19 =	sadd.s32 $0xC80, s31;
	[sflag:s16] =	ssyncadd.s32 $0xFFFFE0C0  }
0x2f: {  	[hbm4b:s22+s3] =	stream.linear.scatter [tilespmem:s19], [sflag:$0x2], $0x1F40, $0x38;
	[tilespmem:$0x8980] =	vst v63  }
0x30: {  	_ =	swait.ge @!p0 [sflag:s21], $0x1F40  }
0x31: {  	[sflag:s21] =	ssyncset.done @!p0 $0x0  }
0x32: {  	s22 =	simm.s32 @!p0 $0x7D;
	[sflag:s21] =	ssyncadd.s32 @!p0 $0xFFFFE0C0  }
0x33: {  	[tilespmem:s19], [sflag:$0x1] =	stream.indirect.gather @!p0 [hbm4b:s2+s22], $0x40, s20, s22, $0xb8;
	[tilespmem:$0x8980] =	vst v63  }
0x34: {  	_ =	swait.ge [sflag:s17], $0x1F40  }
0x35: {  	[sflag:s17] =	ssyncset.done $0x0  }
0x36: {  	[sflag:s17] =	ssyncadd.s32 $0xFFFFE0C0  }
0x37: {  	_ =	swait.ge [sflag:s17], $0x1F40  }
0x38: {  	[sflag:s17] =	ssyncset.done $0x0  }
0x39: {  	s18 =	sadd.s32 $0x1, s18;
	[sflag:s17] =	ssyncadd.s32 $0xFFFFE0C0  }
0x3a: {  	p0 =	sne.s32 s18, s5;
	_ =	swait.ge [sflag:s17], $0x1F40  }
.Ltmp1:
0x3b: {  	[sflag:s17] =	ssyncset.done $0x0;
	(pc) =	sbr.rel @p0 .LBB2_1-.Ltmp1, $4  }
0x3c: {  	[sflag:s17] =	ssyncadd.s32 $0xFFFFE0C0  }
0x3d: {  	_ =	swait.ge [sflag:s17], $0x1F40  }
0x3e: {  	[sflag:s17] =	ssyncset.done $0x0  }
0x3f: {  	[sflag:s17] =	ssyncadd.s32 $0xFFFFE0C0  }
0x40: {  	_ =	sfence.sel $0x180000  }
0x41: {  	[bflag:$0x0] =	sbarrier.arrive $0xFFFF  }
0x42: {  	p0 =	sne.s32 s0, $0x0;
	_ =	strace $0x90000047  }
0x43: {  	s0 =	sadd.s32 @!p0 $0x100000, s1;
	[bflag:$0x2] =	sbarrier.arrive $0xFFFF  }
0x44: {  	[sflag:s0] =	ssyncadd.tile.s32 @!p0 $0x1;
	_ =	shalt  }
.Lfunc_end2:
_tile_overlayer_lowered:
.L_overlay_start_2:
0x45: {  	(tag) =	ssettag $0x2  }
0x46: {  	s0 =	rddreg [dreg:$0x0];
	s2 =	stileid.u32  }
0x47: {  	s1 =	rddreg [dreg:$0x1];
	p0 =	sne.s32 s2, $0x0  }
0x48: {  	s3 =	rddreg [dreg:$0x2];
	[bflag:$0x3] =	sbarrier.arrive $0xFFFF;
	s2 =	simm.s32 @!p0 $0x1C03  }
0x49: {  	[timem:s3], [sflag:s2] =	dma.local @!p0 [hbm:s0], s1  }
0x4a: {  	s0 =	simm.s32 @!p0 $0x3  }
0x4b: {  	_ =	swait.ge @!p0 [sflag:s0], s1  }
0x4c: {  	s1 =	ssub.s32 @!p0 $0x0, s1;
	[sflag:s0] =	ssyncset.done @!p0 $0x0  }
0x4d: {  	[sflag:s0] =	ssyncadd.s32 @!p0 s1  }
0x4e: {  	[bflag:$0x3] =	sbarrier.arrive $0xFFFF  }
0x4f: {  	_ =	shalt  }

</sc_bundles>
